<compile_context>
chip_gen: v7x
topology: tpu7x:2x2x1
jax: 0.10.2.dev20260603
libtpu: 0.0.44.dev20260713+nightly
codegen_flags: <defaults>
</compile_context>

<pallas_src>
import jax
import jax.numpy as jnp
from jax import lax
from jax.experimental import pallas as pl
from jax.experimental.pallas import tpu as pltpu
from jax.experimental.pallas import tpu_sc as plsc

_RADIUS2 = 3.4 * 3.4
_NSAMPLE = 5
_B = 8
_N = 2048
_L = 16
_NC = 2
_NS = 16
_NW = _NC * _NS
_WPB = _NW // _B
_QPW = _N // _WPB
_GROUPS = _QPW // _L
_BLK = 4


def _ball_query_body(x_hbm, out_hbm, pts_v, out_v):
    c = lax.axis_index("c")
    s = lax.axis_index("s")
    wid = s * _NC + c
    b = wid // _WPB
    qoff = (wid % _WPB) * _QPW

    pltpu.sync_copy(x_hbm.at[b], pts_v)

    lanes = lax.iota(jnp.int32, _L)
    czero = jnp.zeros((_L,), jnp.int32)
    cone = jnp.full((_L,), 1, jnp.int32)
    ctwo = jnp.full((_L,), 2, jnp.int32)
    zero = jnp.zeros((_L,), jnp.int32)

    def group(g, carry_none):
        rows = jnp.full((_L,), g * _L, jnp.int32) + lanes
        qidx = (jnp.full((_L,), qoff, jnp.int32) + rows) * 3
        qx = plsc.load_gather(pts_v, [qidx])
        qy = plsc.load_gather(pts_v, [qidx + 1])
        qz = plsc.load_gather(pts_v, [qidx + 2])

        def cond(carry):
            return carry[0]

        def body(carry):
            j = carry[1]
            cnt, i0, i1, i2, i3, i4 = carry[2:]
            for u in range(_BLK):
                jv = jnp.full((_L,), j, dtype=jnp.int32) + u
                j3 = jv + (jv + jv)
                px = plsc.load_gather(pts_v, [j3])
                py = plsc.load_gather(pts_v, [j3 + 1])
                pz = plsc.load_gather(pts_v, [j3 + 2])
                dx = qx - px
                dy = qy - py
                dz = qz - pz
                d2 = dx * dx + dy * dy + dz * dz
                m = d2 < _RADIUS2
                i0 = jnp.where(m & (cnt == 0), jv, i0)
                i1 = jnp.where(m & (cnt == 1), jv, i1)
                i2 = jnp.where(m & (cnt == 2), jv, i2)
                i3 = jnp.where(m & (cnt == 3), jv, i3)
                i4 = jnp.where(m & (cnt == 4), jv, i4)
                cnt = cnt + m.astype(jnp.int32)
            jn = j + _BLK
            popc = plsc.all_reduce_population_count(cnt >= _NSAMPLE)
            cont = jnp.logical_and(jn < _N, popc[0] < _L)
            return (cont, jn, cnt, i0, i1, i2, i3, i4)

        init = (jnp.bool_(True), jnp.int32(0), zero, zero, zero, zero, zero,
                zero)
        res = lax.while_loop(cond, body, init)
        cnt, i0, i1, i2, i3, i4 = (res[2], res[3], res[4], res[5], res[6],
                                   res[7])

        o1 = jnp.where(cnt > 1, i1, i0)
        o2 = jnp.where(cnt > 2, i2, i0)
        o3 = jnp.where(cnt > 3, i3, i0)
        o4 = jnp.where(cnt > 4, i4, i0)
        plsc.store_scatter(out_v, [rows, czero], i0)
        plsc.store_scatter(out_v, [rows, cone], o1)
        plsc.store_scatter(out_v, [rows, ctwo], o2)
        plsc.store_scatter(out_v, [rows, ctwo + 1], o3)
        plsc.store_scatter(out_v, [rows, ctwo + 2], o4)
        return carry_none

    lax.fori_loop(0, _GROUPS, group, 0)

    pltpu.sync_copy(out_v, out_hbm.at[b].at[pl.ds(qoff, _QPW)])


def kernel(x):
    mesh = plsc.VectorSubcoreMesh(core_axis_name="c", subcore_axis_name="s")
    return pl.kernel(
        _ball_query_body,
        out_type=jax.ShapeDtypeStruct((_B, _N, _NSAMPLE), jnp.int32),
        mesh=mesh,
        compiler_params=pltpu.CompilerParams(needs_layout_passes=False),
        scratch_types=[
            pltpu.VMEM((_N * 3,), jnp.float32),
            pltpu.VMEM((_QPW, _NSAMPLE), jnp.int32),
        ],
    )(x.reshape(_B, _N * 3))

# --- scband reference (transcript-rebuilt; emitter-appended) ---
"""Pipeline reference for scband-dummy-module-11879879542396 (READ-ONLY COPY).

The authoritative reference and input builder live on the scoring server;
editing this copy changes nothing except your own understanding.
"""

import jax, jax.numpy as jnp
import numpy as np

RADIUS = 3.4
NSAMPLE = 5


def setup_inputs(seed: int = 0) -> dict:
    key = jax.random.key(seed)
    x = jax.random.normal(key, (8, 2048, 3), dtype=jnp.float32)
    return {"x": x}


def reference(x):
    # Faithful reimplementation of pointnet2_utils.ball_query(radius, nsample, xyz, new_xyz)
    # with new_xyz == xyz. For each query point, gather the first `nsample` point
    # indices (in ascending index order) whose squared distance < radius^2.
    # Slots beyond the number found are filled with the first found index;
    # if no point is within the radius, indices stay 0 (CUDA kernel init).
    r2 = RADIUS * RADIUS
    # pairwise squared distances [B, Nq, N]
    diff = x[:, :, None, :] - x[:, None, :, :]
    d2 = jnp.sum(diff * diff, axis=-1)
    mask = d2 < r2
    # stable argsort puts in-radius indices first, preserving ascending index order
    order = jnp.argsort(jnp.where(mask, 0, 1).astype(jnp.int32), axis=-1)
    cnt = jnp.sum(mask.astype(jnp.int32), axis=-1)  # [B, Nq]
    idx = order[..., :NSAMPLE]  # [B, Nq, NSAMPLE]
    first = order[..., 0]  # first in-radius index (if any)
    slots = jnp.arange(NSAMPLE, dtype=jnp.int32)
    idx = jnp.where(slots[None, None, :] < cnt[..., None], idx, first[..., None])
    idx = jnp.where(cnt[..., None] > 0, idx, 0)
    return idx.astype(jnp.int32)

if __name__ == "__main__":
    import jax
    _d = setup_inputs()
    print(jax.jit(kernel)(*tuple(_d.values())))

</pallas_src>

<mosaic_0001>
#map = affine_map<(d0, d1) -> (0, 0)>
#map1 = affine_map<(d0, d1) -> (0, 0, 0)>
module attributes {stable_mosaic.version = 14 : i64} {
  func.func @_ball_query_body(%arg0: i32, %arg1: i32, %arg2: memref<8x6144xf32, #tpu.memory_space<hbm>>, %arg3: memref<8x2048x5xi32, #tpu.memory_space<hbm>>, %arg4: memref<6144xf32, #tpu.memory_space<vmem>>, %arg5: memref<512x5xi32, #tpu.memory_space<vmem>>) attributes {dimension_semantics = [#tpu.dimension_semantics<core_parallel>, #tpu.dimension_semantics<subcore_parallel>], iteration_bounds = array<i64: 2, 16>, scalar_prefetch = 0 : i64, scratch_operands = 2 : i64, tpu.core_type = #tpu.core_type<sc_vector_subcore>, window_params = [{transform_indices = #map}, {transform_indices = #map1}]} {
    %mul3A = arith.constant 2 : i32
    %mul3A_0 = arith.muli %arg1, %mul3A : i32
    %add3A = arith.addi %mul3A_0, %arg0 : i32
    %jit3A = arith.constant 4 : i32
    %div3A = arith.divsi %add3A, %jit3A : i32
    %sign3A = arith.constant 0 : i32
    %sign3A_1 = arith.cmpi sgt, %add3A, %sign3A : i32
    %sign3A_2 = arith.extui %sign3A_1 : i1 to i32
    %sign3A_3 = arith.constant 0 : i32
    %sign3A_4 = arith.cmpi slt, %add3A, %sign3A_3 : i32
    %sign3A_5 = arith.extui %sign3A_4 : i1 to i32
    %sign3A_6 = arith.subi %sign3A_2, %sign3A_5 : i32
    %sign3A_7 = arith.constant 0 : i32
    %sign3A_8 = arith.cmpi sgt, %jit3A, %sign3A_7 : i32
    %sign3A_9 = arith.extui %sign3A_8 : i1 to i32
    %sign3A_10 = arith.constant 0 : i32
    %sign3A_11 = arith.cmpi slt, %jit3A, %sign3A_10 : i32
    %sign3A_12 = arith.extui %sign3A_11 : i1 to i32
    %sign3A_13 = arith.subi %sign3A_9, %sign3A_12 : i32
    %ne3A = arith.cmpi ne, %sign3A_6, %sign3A_13 : i32
    %rem3A = arith.remsi %add3A, %jit3A : i32
    %ne3A_14 = arith.constant 0 : i32
    %ne3A_15 = arith.cmpi ne, %rem3A, %ne3A_14 : i32
    %and3A = arith.andi %ne3A, %ne3A_15 : i1
    %sub3A = arith.constant 1 : i32
    %sub3A_16 = arith.subi %div3A, %sub3A : i32
    %select_n3A = arith.select %and3A, %sub3A_16, %div3A : i32
    %jit3A_17 = arith.constant 4 : i32
    %eq3A = arith.constant 0 : i32
    %eq3A_18 = arith.cmpi eq, %jit3A_17, %eq3A : i32
    %jit3A_19 = arith.constant 1 : i32
    %select_n3A_20 = arith.select %eq3A_18, %jit3A_19, %jit3A_17 : i32
    %rem3A_21 = arith.remsi %add3A, %select_n3A_20 : i32
    %ne3A_22 = arith.constant 0 : i32
    %ne3A_23 = arith.cmpi ne, %rem3A_21, %ne3A_22 : i32
    %lt3A = arith.constant 0 : i32
    %lt3A_24 = arith.cmpi slt, %rem3A_21, %lt3A : i32
    %lt3A_25 = arith.constant 0 : i32
    %lt3A_26 = arith.cmpi slt, %select_n3A_20, %lt3A_25 : i32
    %ne3A_27 = arith.xori %lt3A_24, %lt3A_26 : i1
    %and3A_28 = arith.andi %ne3A_27, %ne3A_23 : i1
    %add3A_29 = arith.addi %rem3A_21, %select_n3A_20 : i32
    %select_n3A_30 = arith.select %and3A_28, %add3A_29, %rem3A_21 : i32
    %mul3A_31 = arith.constant 512 : i32
    %mul3A_32 = arith.muli %select_n3A_30, %mul3A_31 : i32
    "tpu.region"() ({
      %run_scoped3A = tpu.sem_alloc : memref<!tpu.dma_semaphore, #tpu.memory_space<semaphore_mem>>
      %dma_start3A = arith.constant 0 : i32
      %dma_start3A_45 = tpu.memref_slice %arg2[%select_n3A, %dma_start3A] : memref<8x6144xf32, #tpu.memory_space<hbm>> -> memref<1x6144xf32, #tpu.memory_space<hbm>>
      %dma_start3A_46 = tpu.memref_squeeze %dma_start3A_45 : memref<1x6144xf32, #tpu.memory_space<hbm>> -> memref<6144xf32, #tpu.memory_space<hbm>>
      %dma_start3A_47 = arith.constant 0 : i32
      %dma_start3A_48 = tpu.memref_slice %arg2[%select_n3A, %dma_start3A_47] : memref<8x6144xf32, #tpu.memory_space<hbm>> -> memref<1x6144xf32, #tpu.memory_space<hbm>>
      %dma_start3A_49 = tpu.memref_squeeze %dma_start3A_48 : memref<1x6144xf32, #tpu.memory_space<hbm>> -> memref<6144xf32, #tpu.memory_space<hbm>>
      tpu.enqueue_dma source(%dma_start3A_49 : memref<6144xf32, #tpu.memory_space<hbm>>) target(%arg4 : memref<6144xf32, #tpu.memory_space<vmem>>) target_semaphore(%run_scoped3A : memref<!tpu.dma_semaphore, #tpu.memory_space<semaphore_mem>>)
      %dma_wait3A = arith.constant 0 : i32
      %dma_wait3A_50 = tpu.memref_slice %arg2[%select_n3A, %dma_wait3A] : memref<8x6144xf32, #tpu.memory_space<hbm>> -> memref<1x6144xf32, #tpu.memory_space<hbm>>
      %dma_wait3A_51 = tpu.memref_squeeze %dma_wait3A_50 : memref<1x6144xf32, #tpu.memory_space<hbm>> -> memref<6144xf32, #tpu.memory_space<hbm>>
      %dma_wait3A_52 = arith.constant 0 : i32
      %dma_wait3A_53 = tpu.memref_slice %arg2[%select_n3A, %dma_wait3A_52] : memref<8x6144xf32, #tpu.memory_space<hbm>> -> memref<1x6144xf32, #tpu.memory_space<hbm>>
      %dma_wait3A_54 = tpu.memref_squeeze %dma_wait3A_53 : memref<1x6144xf32, #tpu.memory_space<hbm>> -> memref<6144xf32, #tpu.memory_space<hbm>>
      tpu.wait_dma2 semaphore(%run_scoped3A : memref<!tpu.dma_semaphore, #tpu.memory_space<semaphore_mem>>) src(%dma_wait3A_54 : memref<6144xf32, #tpu.memory_space<hbm>>) dst(%arg4 : memref<6144xf32, #tpu.memory_space<vmem>>)
      tpu.yield
    }) : () -> ()
    %iota3A = tpu.iota {dimensions = array<i32: 0>} : vector<16xi32>
    %broadcast_in_dim3A = arith.constant 0 : i32
    %broadcast_in_dim3A_33 = vector.broadcast %broadcast_in_dim3A : i32 to vector<16xi32>
    %broadcast_in_dim3A_34 = arith.constant 1 : i32
    %broadcast_in_dim3A_35 = vector.broadcast %broadcast_in_dim3A_34 : i32 to vector<16xi32>
    %broadcast_in_dim3A_36 = arith.constant 2 : i32
    %broadcast_in_dim3A_37 = vector.broadcast %broadcast_in_dim3A_36 : i32 to vector<16xi32>
    %broadcast_in_dim3A_38 = arith.constant 0 : i32
    %broadcast_in_dim3A_39 = vector.broadcast %broadcast_in_dim3A_38 : i32 to vector<16xi32>
    %scan3A = arith.constant 0 : i32
    %scan3A_40 = arith.constant 0 : i32
    %scan3A_41 = arith.constant 32 : i32
    %scan3A_42 = arith.addi %scan3A_40, %scan3A_41 : i32
    %scan3A_43 = arith.constant 1 : i32
    scf.for %scan3A_45 = %scan3A_40 to %scan3A_42 step %scan3A_43  : i32 {
      %mul3A_46 = arith.constant 16 : i32
      %mul3A_47 = arith.muli %scan3A_45, %mul3A_46 : i32
      %broadcast_in_dim3A_48 = vector.broadcast %mul3A_47 : i32 to vector<16xi32>
      %add3A_49 = arith.addi %broadcast_in_dim3A_48, %iota3A : vector<16xi32>
      %broadcast_in_dim3A_50 = vector.broadcast %mul3A_32 : i32 to vector<16xi32>
      %add3A_51 = arith.addi %broadcast_in_dim3A_50, %add3A_49 : vector<16xi32>
      %mul3A_52 = arith.constant 3 : i32
      %mul3A_53 = vector.broadcast %mul3A_52 : i32 to vector<16xi32>
      %mul3A_54 = arith.muli %add3A_51, %mul3A_53 : vector<16xi32>
      %gather3A = tpu.vector_load_idx %arg4[%mul3A_54] : memref<6144xf32, #tpu.memory_space<vmem>>[vector<16xi32>], vector<16xf32>,
      %add3A_55 = arith.constant 1 : i32
      %add3A_56 = vector.broadcast %add3A_55 : i32 to vector<16xi32>
      %add3A_57 = arith.addi %mul3A_54, %add3A_56 : vector<16xi32>
      %gather3A_58 = tpu.vector_load_idx %arg4[%add3A_57] : memref<6144xf32, #tpu.memory_space<vmem>>[vector<16xi32>], vector<16xf32>,
      %add3A_59 = arith.constant 2 : i32
      %add3A_60 = vector.broadcast %add3A_59 : i32 to vector<16xi32>
      %add3A_61 = arith.addi %mul3A_54, %add3A_60 : vector<16xi32>
      %gather3A_62 = tpu.vector_load_idx %arg4[%add3A_61] : memref<6144xf32, #tpu.memory_space<vmem>>[vector<16xi32>], vector<16xf32>,
      %while3A = arith.constant true
      %while3A_63 = arith.constant 0 : i32
      %while3A_64:8 = scf.while (%while3A_86 = %while3A, %while3A_87 = %while3A_63, %while3A_88 = %broadcast_in_dim3A_39, %while3A_89 = %broadcast_in_dim3A_39, %while3A_90 = %broadcast_in_dim3A_39, %while3A_91 = %broadcast_in_dim3A_39, %while3A_92 = %broadcast_in_dim3A_39, %while3A_93 = %broadcast_in_dim3A_39) : (i1, i32, vector<16xi32>, vector<16xi32>, vector<16xi32>, vector<16xi32>, vector<16xi32>, vector<16xi32>) -> (i1, i32, vector<16xi32>, vector<16xi32>, vector<16xi32>, vector<16xi32>, vector<16xi32>, vector<16xi32>) {
        scf.condition(%while3A_86) %while3A_86, %while3A_87, %while3A_88, %while3A_89, %while3A_90, %while3A_91, %while3A_92, %while3A_93 : i1, i32, vector<16xi32>, vector<16xi32>, vector<16xi32>, vector<16xi32>, vector<16xi32>, vector<16xi32>
      } do {
      ^bb0(%while3A_86: i1, %while3A_87: i32, %while3A_88: vector<16xi32>, %while3A_89: vector<16xi32>, %while3A_90: vector<16xi32>, %while3A_91: vector<16xi32>, %while3A_92: vector<16xi32>, %while3A_93: vector<16xi32>):
        %broadcast_in_dim3A_94 = vector.broadcast %while3A_87 : i32 to vector<16xi32>
        %add3A_95 = arith.constant 0 : i32
        %add3A_96 = vector.broadcast %add3A_95 : i32 to vector<16xi32>
        %add3A_97 = arith.addi %broadcast_in_dim3A_94, %add3A_96 : vector<16xi32>
        %add3A_98 = arith.addi %add3A_97, %add3A_97 : vector<16xi32>
        %add3A_99 = arith.addi %add3A_97, %add3A_98 : vector<16xi32>
        %gather3A_100 = tpu.vector_load_idx %arg4[%add3A_99] : memref<6144xf32, #tpu.memory_space<vmem>>[vector<16xi32>], vector<16xf32>,
        %add3A_101 = arith.constant 1 : i32
        %add3A_102 = vector.broadcast %add3A_101 : i32 to vector<16xi32>
        %add3A_103 = arith.addi %add3A_99, %add3A_102 : vector<16xi32>
        %gather3A_104 = tpu.vector_load_idx %arg4[%add3A_103] : memref<6144xf32, #tpu.memory_space<vmem>>[vector<16xi32>], vector<16xf32>,
        %add3A_105 = arith.constant 2 : i32
        %add3A_106 = vector.broadcast %add3A_105 : i32 to vector<16xi32>
        %add3A_107 = arith.addi %add3A_99, %add3A_106 : vector<16xi32>
        %gather3A_108 = tpu.vector_load_idx %arg4[%add3A_107] : memref<6144xf32, #tpu.memory_space<vmem>>[vector<16xi32>], vector<16xf32>,
        %sub3A_109 = arith.subf %gather3A, %gather3A_100 : vector<16xf32>
        %sub3A_110 = arith.subf %gather3A_58, %gather3A_104 : vector<16xf32>
        %sub3A_111 = arith.subf %gather3A_62, %gather3A_108 : vector<16xf32>
        %mul3A_112 = arith.mulf %sub3A_109, %sub3A_109 : vector<16xf32>
        %mul3A_113 = arith.mulf %sub3A_110, %sub3A_110 : vector<16xf32>
        %add3A_114 = arith.addf %mul3A_112, %mul3A_113 : vector<16xf32>
        %mul3A_115 = arith.mulf %sub3A_111, %sub3A_111 : vector<16xf32>
        %add3A_116 = arith.addf %add3A_114, %mul3A_115 : vector<16xf32>
        %lt3A_117 = arith.constant 1.156000e+01 : f32
        %lt3A_118 = vector.broadcast %lt3A_117 : f32 to vector<16xf32>
        %lt3A_119 = arith.cmpf olt, %add3A_116, %lt3A_118 : vector<16xf32>
        %eq3A_120 = arith.constant 0 : i32
        %eq3A_121 = vector.broadcast %eq3A_120 : i32 to vector<16xi32>
        %eq3A_122 = arith.cmpi eq, %while3A_88, %eq3A_121 : vector<16xi32>
        %and3A_123 = arith.andi %lt3A_119, %eq3A_122 : vector<16xi1>
        %select_n3A_124 = arith.select %and3A_123, %add3A_97, %while3A_89 : vector<16xi1>, vector<16xi32>
        %eq3A_125 = arith.constant 1 : i32
        %eq3A_126 = vector.broadcast %eq3A_125 : i32 to vector<16xi32>
        %eq3A_127 = arith.cmpi eq, %while3A_88, %eq3A_126 : vector<16xi32>
        %and3A_128 = arith.andi %lt3A_119, %eq3A_127 : vector<16xi1>
        %select_n3A_129 = arith.select %and3A_128, %add3A_97, %while3A_90 : vector<16xi1>, vector<16xi32>
        %eq3A_130 = arith.constant 2 : i32
        %eq3A_131 = vector.broadcast %eq3A_130 : i32 to vector<16xi32>
        %eq3A_132 = arith.cmpi eq, %while3A_88, %eq3A_131 : vector<16xi32>
        %and3A_133 = arith.andi %lt3A_119, %eq3A_132 : vector<16xi1>
        %select_n3A_134 = arith.select %and3A_133, %add3A_97, %while3A_91 : vector<16xi1>, vector<16xi32>
        %eq3A_135 = arith.constant 3 : i32
        %eq3A_136 = vector.broadcast %eq3A_135 : i32 to vector<16xi32>
        %eq3A_137 = arith.cmpi eq, %while3A_88, %eq3A_136 : vector<16xi32>
        %and3A_138 = arith.andi %lt3A_119, %eq3A_137 : vector<16xi1>
        %select_n3A_139 = arith.select %and3A_138, %add3A_97, %while3A_92 : vector<16xi1>, vector<16xi32>
        %eq3A_140 = arith.constant 4 : i32
        %eq3A_141 = vector.broadcast %eq3A_140 : i32 to vector<16xi32>
        %eq3A_142 = arith.cmpi eq, %while3A_88, %eq3A_141 : vector<16xi32>
        %and3A_143 = arith.andi %lt3A_119, %eq3A_142 : vector<16xi1>
        %select_n3A_144 = arith.select %and3A_143, %add3A_97, %while3A_93 : vector<16xi1>, vector<16xi32>
        %convert_element_type3A = arith.extui %lt3A_119 : vector<16xi1> to vector<16xi32>
        %add3A_145 = arith.addi %while3A_88, %convert_element_type3A : vector<16xi32>
        %broadcast_in_dim3A_146 = vector.broadcast %while3A_87 : i32 to vector<16xi32>
        %add3A_147 = arith.constant 1 : i32
        %add3A_148 = vector.broadcast %add3A_147 : i32 to vector<16xi32>
        %add3A_149 = arith.addi %broadcast_in_dim3A_146, %add3A_148 : vector<16xi32>
        %add3A_150 = arith.addi %add3A_149, %add3A_149 : vector<16xi32>
        %add3A_151 = arith.addi %add3A_149, %add3A_150 : vector<16xi32>
        %gather3A_152 = tpu.vector_load_idx %arg4[%add3A_151] : memref<6144xf32, #tpu.memory_space<vmem>>[vector<16xi32>], vector<16xf32>,
        %add3A_153 = arith.constant 1 : i32
        %add3A_154 = vector.broadcast %add3A_153 : i32 to vector<16xi32>
        %add3A_155 = arith.addi %add3A_151, %add3A_154 : vector<16xi32>
        %gather3A_156 = tpu.vector_load_idx %arg4[%add3A_155] : memref<6144xf32, #tpu.memory_space<vmem>>[vector<16xi32>], vector<16xf32>,
        %add3A_157 = arith.constant 2 : i32
        %add3A_158 = vector.broadcast %add3A_157 : i32 to vector<16xi32>
        %add3A_159 = arith.addi %add3A_151, %add3A_158 : vector<16xi32>
        %gather3A_160 = tpu.vector_load_idx %arg4[%add3A_159] : memref<6144xf32, #tpu.memory_space<vmem>>[vector<16xi32>], vector<16xf32>,
        %sub3A_161 = arith.subf %gather3A, %gather3A_152 : vector<16xf32>
        %sub3A_162 = arith.subf %gather3A_58, %gather3A_156 : vector<16xf32>
        %sub3A_163 = arith.subf %gather3A_62, %gather3A_160 : vector<16xf32>
        %mul3A_164 = arith.mulf %sub3A_161, %sub3A_161 : vector<16xf32>
        %mul3A_165 = arith.mulf %sub3A_162, %sub3A_162 : vector<16xf32>
        %add3A_166 = arith.addf %mul3A_164, %mul3A_165 : vector<16xf32>
        %mul3A_167 = arith.mulf %sub3A_163, %sub3A_163 : vector<16xf32>
        %add3A_168 = arith.addf %add3A_166, %mul3A_167 : vector<16xf32>
        %lt3A_169 = arith.constant 1.156000e+01 : f32
        %lt3A_170 = vector.broadcast %lt3A_169 : f32 to vector<16xf32>
        %lt3A_171 = arith.cmpf olt, %add3A_168, %lt3A_170 : vector<16xf32>
        %eq3A_172 = arith.constant 0 : i32
        %eq3A_173 = vector.broadcast %eq3A_172 : i32 to vector<16xi32>
        %eq3A_174 = arith.cmpi eq, %add3A_145, %eq3A_173 : vector<16xi32>
        %and3A_175 = arith.andi %lt3A_171, %eq3A_174 : vector<16xi1>
        %select_n3A_176 = arith.select %and3A_175, %add3A_149, %select_n3A_124 : vector<16xi1>, vector<16xi32>
        %eq3A_177 = arith.constant 1 : i32
        %eq3A_178 = vector.broadcast %eq3A_177 : i32 to vector<16xi32>
        %eq3A_179 = arith.cmpi eq, %add3A_145, %eq3A_178 : vector<16xi32>
        %and3A_180 = arith.andi %lt3A_171, %eq3A_179 : vector<16xi1>
        %select_n3A_181 = arith.select %and3A_180, %add3A_149, %select_n3A_129 : vector<16xi1>, vector<16xi32>
        %eq3A_182 = arith.constant 2 : i32
        %eq3A_183 = vector.broadcast %eq3A_182 : i32 to vector<16xi32>
        %eq3A_184 = arith.cmpi eq, %add3A_145, %eq3A_183 : vector<16xi32>
        %and3A_185 = arith.andi %lt3A_171, %eq3A_184 : vector<16xi1>
        %select_n3A_186 = arith.select %and3A_185, %add3A_149, %select_n3A_134 : vector<16xi1>, vector<16xi32>
        %eq3A_187 = arith.constant 3 : i32
        %eq3A_188 = vector.broadcast %eq3A_187 : i32 to vector<16xi32>
        %eq3A_189 = arith.cmpi eq, %add3A_145, %eq3A_188 : vector<16xi32>
        %and3A_190 = arith.andi %lt3A_171, %eq3A_189 : vector<16xi1>
        %select_n3A_191 = arith.select %and3A_190, %add3A_149, %select_n3A_139 : vector<16xi1>, vector<16xi32>
        %eq3A_192 = arith.constant 4 : i32
        %eq3A_193 = vector.broadcast %eq3A_192 : i32 to vector<16xi32>
        %eq3A_194 = arith.cmpi eq, %add3A_145, %eq3A_193 : vector<16xi32>
        %and3A_195 = arith.andi %lt3A_171, %eq3A_194 : vector<16xi1>
        %select_n3A_196 = arith.select %and3A_195, %add3A_149, %select_n3A_144 : vector<16xi1>, vector<16xi32>
        %convert_element_type3A_197 = arith.extui %lt3A_171 : vector<16xi1> to vector<16xi32>
        %add3A_198 = arith.addi %add3A_145, %convert_element_type3A_197 : vector<16xi32>
        %broadcast_in_dim3A_199 = vector.broadcast %while3A_87 : i32 to vector<16xi32>
        %add3A_200 = arith.constant 2 : i32
        %add3A_201 = vector.broadcast %add3A_200 : i32 to vector<16xi32>
        %add3A_202 = arith.addi %broadcast_in_dim3A_199, %add3A_201 : vector<16xi32>
        %add3A_203 = arith.addi %add3A_202, %add3A_202 : vector<16xi32>
        %add3A_204 = arith.addi %add3A_202, %add3A_203 : vector<16xi32>
        %gather3A_205 = tpu.vector_load_idx %arg4[%add3A_204] : memref<6144xf32, #tpu.memory_space<vmem>>[vector<16xi32>], vector<16xf32>,
        %add3A_206 = arith.constant 1 : i32
        %add3A_207 = vector.broadcast %add3A_206 : i32 to vector<16xi32>
        %add3A_208 = arith.addi %add3A_204, %add3A_207 : vector<16xi32>
        %gather3A_209 = tpu.vector_load_idx %arg4[%add3A_208] : memref<6144xf32, #tpu.memory_space<vmem>>[vector<16xi32>], vector<16xf32>,
        %add3A_210 = arith.constant 2 : i32
        %add3A_211 = vector.broadcast %add3A_210 : i32 to vector<16xi32>
        %add3A_212 = arith.addi %add3A_204, %add3A_211 : vector<16xi32>
        %gather3A_213 = tpu.vector_load_idx %arg4[%add3A_212] : memref<6144xf32, #tpu.memory_space<vmem>>[vector<16xi32>], vector<16xf32>,
        %sub3A_214 = arith.subf %gather3A, %gather3A_205 : vector<16xf32>
        %sub3A_215 = arith.subf %gather3A_58, %gather3A_209 : vector<16xf32>
        %sub3A_216 = arith.subf %gather3A_62, %gather3A_213 : vector<16xf32>
        %mul3A_217 = arith.mulf %sub3A_214, %sub3A_214 : vector<16xf32>
        %mul3A_218 = arith.mulf %sub3A_215, %sub3A_215 : vector<16xf32>
        %add3A_219 = arith.addf %mul3A_217, %mul3A_218 : vector<16xf32>
        %mul3A_220 = arith.mulf %sub3A_216, %sub3A_216 : vector<16xf32>
        %add3A_221 = arith.addf %add3A_219, %mul3A_220 : vector<16xf32>
        %lt3A_222 = arith.constant 1.156000e+01 : f32
        %lt3A_223 = vector.broadcast %lt3A_222 : f32 to vector<16xf32>
        %lt3A_224 = arith.cmpf olt, %add3A_221, %lt3A_223 : vector<16xf32>
        %eq3A_225 = arith.constant 0 : i32
        %eq3A_226 = vector.broadcast %eq3A_225 : i32 to vector<16xi32>
        %eq3A_227 = arith.cmpi eq, %add3A_198, %eq3A_226 : vector<16xi32>
        %and3A_228 = arith.andi %lt3A_224, %eq3A_227 : vector<16xi1>
        %select_n3A_229 = arith.select %and3A_228, %add3A_202, %select_n3A_176 : vector<16xi1>, vector<16xi32>
        %eq3A_230 = arith.constant 1 : i32
        %eq3A_231 = vector.broadcast %eq3A_230 : i32 to vector<16xi32>
        %eq3A_232 = arith.cmpi eq, %add3A_198, %eq3A_231 : vector<16xi32>
        %and3A_233 = arith.andi %lt3A_224, %eq3A_232 : vector<16xi1>
        %select_n3A_234 = arith.select %and3A_233, %add3A_202, %select_n3A_181 : vector<16xi1>, vector<16xi32>
        %eq3A_235 = arith.constant 2 : i32
        %eq3A_236 = vector.broadcast %eq3A_235 : i32 to vector<16xi32>
        %eq3A_237 = arith.cmpi eq, %add3A_198, %eq3A_236 : vector<16xi32>
        %and3A_238 = arith.andi %lt3A_224, %eq3A_237 : vector<16xi1>
        %select_n3A_239 = arith.select %and3A_238, %add3A_202, %select_n3A_186 : vector<16xi1>, vector<16xi32>
        %eq3A_240 = arith.constant 3 : i32
        %eq3A_241 = vector.broadcast %eq3A_240 : i32 to vector<16xi32>
        %eq3A_242 = arith.cmpi eq, %add3A_198, %eq3A_241 : vector<16xi32>
        %and3A_243 = arith.andi %lt3A_224, %eq3A_242 : vector<16xi1>
        %select_n3A_244 = arith.select %and3A_243, %add3A_202, %select_n3A_191 : vector<16xi1>, vector<16xi32>
        %eq3A_245 = arith.constant 4 : i32
        %eq3A_246 = vector.broadcast %eq3A_245 : i32 to vector<16xi32>
        %eq3A_247 = arith.cmpi eq, %add3A_198, %eq3A_246 : vector<16xi32>
        %and3A_248 = arith.andi %lt3A_224, %eq3A_247 : vector<16xi1>
        %select_n3A_249 = arith.select %and3A_248, %add3A_202, %select_n3A_196 : vector<16xi1>, vector<16xi32>
        %convert_element_type3A_250 = arith.extui %lt3A_224 : vector<16xi1> to vector<16xi32>
        %add3A_251 = arith.addi %add3A_198, %convert_element_type3A_250 : vector<16xi32>
        %broadcast_in_dim3A_252 = vector.broadcast %while3A_87 : i32 to vector<16xi32>
        %add3A_253 = arith.constant 3 : i32
        %add3A_254 = vector.broadcast %add3A_253 : i32 to vector<16xi32>
        %add3A_255 = arith.addi %broadcast_in_dim3A_252, %add3A_254 : vector<16xi32>
        %add3A_256 = arith.addi %add3A_255, %add3A_255 : vector<16xi32>
        %add3A_257 = arith.addi %add3A_255, %add3A_256 : vector<16xi32>
        %gather3A_258 = tpu.vector_load_idx %arg4[%add3A_257] : memref<6144xf32, #tpu.memory_space<vmem>>[vector<16xi32>], vector<16xf32>,
        %add3A_259 = arith.constant 1 : i32
        %add3A_260 = vector.broadcast %add3A_259 : i32 to vector<16xi32>
        %add3A_261 = arith.addi %add3A_257, %add3A_260 : vector<16xi32>
        %gather3A_262 = tpu.vector_load_idx %arg4[%add3A_261] : memref<6144xf32, #tpu.memory_space<vmem>>[vector<16xi32>], vector<16xf32>,
        %add3A_263 = arith.constant 2 : i32
        %add3A_264 = vector.broadcast %add3A_263 : i32 to vector<16xi32>
        %add3A_265 = arith.addi %add3A_257, %add3A_264 : vector<16xi32>
        %gather3A_266 = tpu.vector_load_idx %arg4[%add3A_265] : memref<6144xf32, #tpu.memory_space<vmem>>[vector<16xi32>], vector<16xf32>,
        %sub3A_267 = arith.subf %gather3A, %gather3A_258 : vector<16xf32>
        %sub3A_268 = arith.subf %gather3A_58, %gather3A_262 : vector<16xf32>
        %sub3A_269 = arith.subf %gather3A_62, %gather3A_266 : vector<16xf32>
        %mul3A_270 = arith.mulf %sub3A_267, %sub3A_267 : vector<16xf32>
        %mul3A_271 = arith.mulf %sub3A_268, %sub3A_268 : vector<16xf32>
        %add3A_272 = arith.addf %mul3A_270, %mul3A_271 : vector<16xf32>
        %mul3A_273 = arith.mulf %sub3A_269, %sub3A_269 : vector<16xf32>
        %add3A_274 = arith.addf %add3A_272, %mul3A_273 : vector<16xf32>
        %lt3A_275 = arith.constant 1.156000e+01 : f32
        %lt3A_276 = vector.broadcast %lt3A_275 : f32 to vector<16xf32>
        %lt3A_277 = arith.cmpf olt, %add3A_274, %lt3A_276 : vector<16xf32>
        %eq3A_278 = arith.constant 0 : i32
        %eq3A_279 = vector.broadcast %eq3A_278 : i32 to vector<16xi32>
        %eq3A_280 = arith.cmpi eq, %add3A_251, %eq3A_279 : vector<16xi32>
        %and3A_281 = arith.andi %lt3A_277, %eq3A_280 : vector<16xi1>
        %select_n3A_282 = arith.select %and3A_281, %add3A_255, %select_n3A_229 : vector<16xi1>, vector<16xi32>
        %eq3A_283 = arith.constant 1 : i32
        %eq3A_284 = vector.broadcast %eq3A_283 : i32 to vector<16xi32>
        %eq3A_285 = arith.cmpi eq, %add3A_251, %eq3A_284 : vector<16xi32>
        %and3A_286 = arith.andi %lt3A_277, %eq3A_285 : vector<16xi1>
        %select_n3A_287 = arith.select %and3A_286, %add3A_255, %select_n3A_234 : vector<16xi1>, vector<16xi32>
        %eq3A_288 = arith.constant 2 : i32
        %eq3A_289 = vector.broadcast %eq3A_288 : i32 to vector<16xi32>
        %eq3A_290 = arith.cmpi eq, %add3A_251, %eq3A_289 : vector<16xi32>
        %and3A_291 = arith.andi %lt3A_277, %eq3A_290 : vector<16xi1>
        %select_n3A_292 = arith.select %and3A_291, %add3A_255, %select_n3A_239 : vector<16xi1>, vector<16xi32>
        %eq3A_293 = arith.constant 3 : i32
        %eq3A_294 = vector.broadcast %eq3A_293 : i32 to vector<16xi32>
        %eq3A_295 = arith.cmpi eq, %add3A_251, %eq3A_294 : vector<16xi32>
        %and3A_296 = arith.andi %lt3A_277, %eq3A_295 : vector<16xi1>
        %select_n3A_297 = arith.select %and3A_296, %add3A_255, %select_n3A_244 : vector<16xi1>, vector<16xi32>
        %eq3A_298 = arith.constant 4 : i32
        %eq3A_299 = vector.broadcast %eq3A_298 : i32 to vector<16xi32>
        %eq3A_300 = arith.cmpi eq, %add3A_251, %eq3A_299 : vector<16xi32>
        %and3A_301 = arith.andi %lt3A_277, %eq3A_300 : vector<16xi1>
        %select_n3A_302 = arith.select %and3A_301, %add3A_255, %select_n3A_249 : vector<16xi1>, vector<16xi32>
        %convert_element_type3A_303 = arith.extui %lt3A_277 : vector<16xi1> to vector<16xi32>
        %add3A_304 = arith.addi %add3A_251, %convert_element_type3A_303 : vector<16xi32>
        %add3A_305 = arith.constant 4 : i32
        %add3A_306 = arith.addi %while3A_87, %add3A_305 : i32
        %ge3A = arith.constant 5 : i32
        %ge3A_307 = vector.broadcast %ge3A : i32 to vector<16xi32>
        %ge3A_308 = arith.cmpi sge, %add3A_304, %ge3A_307 : vector<16xi32>
        %all_reduce_population_count3A = tpu.all_reduce %ge3A_308 {dim = 0 : i64, kind = #tpu.reduction_kind<sum>} : vector<16xi1> -> vector<16xi32>
        %lt3A_309 = arith.constant 2048 : i32
        %lt3A_310 = arith.cmpi slt, %add3A_306, %lt3A_309 : i32
        %slice3A = vector.extract_strided_slice %all_reduce_population_count3A {offsets = [0], sizes = [1], strides = [1]} : vector<16xi32> to vector<1xi32>
        %squeeze3A = vector.extract %slice3A[0] : i32 from vector<1xi32>
        %lt3A_311 = arith.constant 16 : i32
        %lt3A_312 = arith.cmpi slt, %squeeze3A, %lt3A_311 : i32
        %and3A_313 = arith.andi %lt3A_310, %lt3A_312 : i1
        scf.yield %and3A_313, %add3A_306, %add3A_304, %select_n3A_282, %select_n3A_287, %select_n3A_292, %select_n3A_297, %select_n3A_302 : i1, i32, vector<16xi32>, vector<16xi32>, vector<16xi32>, vector<16xi32>, vector<16xi32>, vector<16xi32>
      }
      %gt3A = arith.constant 1 : i32
      %gt3A_65 = vector.broadcast %gt3A : i32 to vector<16xi32>
      %gt3A_66 = arith.cmpi sgt, %while3A_64#2, %gt3A_65 : vector<16xi32>
      %select_n3A_67 = arith.select %gt3A_66, %while3A_64#4, %while3A_64#3 : vector<16xi1>, vector<16xi32>
      %gt3A_68 = arith.constant 2 : i32
      %gt3A_69 = vector.broadcast %gt3A_68 : i32 to vector<16xi32>
      %gt3A_70 = arith.cmpi sgt, %while3A_64#2, %gt3A_69 : vector<16xi32>
      %select_n3A_71 = arith.select %gt3A_70, %while3A_64#5, %while3A_64#3 : vector<16xi1>, vector<16xi32>
      %gt3A_72 = arith.constant 3 : i32
      %gt3A_73 = vector.broadcast %gt3A_72 : i32 to vector<16xi32>
      %gt3A_74 = arith.cmpi sgt, %while3A_64#2, %gt3A_73 : vector<16xi32>
      %select_n3A_75 = arith.select %gt3A_74, %while3A_64#6, %while3A_64#3 : vector<16xi1>, vector<16xi32>
      %gt3A_76 = arith.constant 4 : i32
      %gt3A_77 = vector.broadcast %gt3A_76 : i32 to vector<16xi32>
      %gt3A_78 = arith.cmpi sgt, %while3A_64#2, %gt3A_77 : vector<16xi32>
      %select_n3A_79 = arith.select %gt3A_78, %while3A_64#7, %while3A_64#3 : vector<16xi1>, vector<16xi32>
      tpu.vector_store_idx %arg5[%add3A_49, %broadcast_in_dim3A_33], %while3A_64#3 : memref<512x5xi32, #tpu.memory_space<vmem>>[vector<16xi32>, vector<16xi32>], vector<16xi32>,
      tpu.vector_store_idx %arg5[%add3A_49, %broadcast_in_dim3A_35], %select_n3A_67 : memref<512x5xi32, #tpu.memory_space<vmem>>[vector<16xi32>, vector<16xi32>], vector<16xi32>,
      tpu.vector_store_idx %arg5[%add3A_49, %broadcast_in_dim3A_37], %select_n3A_71 : memref<512x5xi32, #tpu.memory_space<vmem>>[vector<16xi32>, vector<16xi32>], vector<16xi32>,
      %add3A_80 = arith.constant 1 : i32
      %add3A_81 = vector.broadcast %add3A_80 : i32 to vector<16xi32>
      %add3A_82 = arith.addi %broadcast_in_dim3A_37, %add3A_81 : vector<16xi32>
      tpu.vector_store_idx %arg5[%add3A_49, %add3A_82], %select_n3A_75 : memref<512x5xi32, #tpu.memory_space<vmem>>[vector<16xi32>, vector<16xi32>], vector<16xi32>,
      %add3A_83 = arith.constant 2 : i32
      %add3A_84 = vector.broadcast %add3A_83 : i32 to vector<16xi32>
      %add3A_85 = arith.addi %broadcast_in_dim3A_37, %add3A_84 : vector<16xi32>
      tpu.vector_store_idx %arg5[%add3A_49, %add3A_85], %select_n3A_79 : memref<512x5xi32, #tpu.memory_space<vmem>>[vector<16xi32>, vector<16xi32>], vector<16xi32>,
    }
    %scan3A_44 = arith.constant 32 : i32
    "tpu.region"() ({
      %run_scoped3A = tpu.sem_alloc : memref<!tpu.dma_semaphore, #tpu.memory_space<semaphore_mem>>
      %dma_start3A = arith.constant 0 : i32
      %dma_start3A_45 = arith.constant 0 : i32
      %dma_start3A_46 = tpu.memref_slice %arg3[%select_n3A, %dma_start3A, %dma_start3A_45] : memref<8x2048x5xi32, #tpu.memory_space<hbm>> -> memref<1x2048x5xi32, #tpu.memory_space<hbm>>
      %dma_start3A_47 = tpu.memref_squeeze %dma_start3A_46 : memref<1x2048x5xi32, #tpu.memory_space<hbm>> -> memref<2048x5xi32, #tpu.memory_space<hbm>>
      %dma_start3A_48 = arith.constant 0 : i32
      %dma_start3A_49 = tpu.memref_slice %dma_start3A_47[%mul3A_32, %dma_start3A_48] : memref<2048x5xi32, #tpu.memory_space<hbm>> -> memref<512x5xi32, #tpu.memory_space<hbm>>
      %dma_start3A_50 = arith.constant 0 : i32
      %dma_start3A_51 = arith.constant 0 : i32
      %dma_start3A_52 = tpu.memref_slice %arg3[%select_n3A, %dma_start3A_50, %dma_start3A_51] : memref<8x2048x5xi32, #tpu.memory_space<hbm>> -> memref<1x2048x5xi32, #tpu.memory_space<hbm>>
      %dma_start3A_53 = tpu.memref_squeeze %dma_start3A_52 : memref<1x2048x5xi32, #tpu.memory_space<hbm>> -> memref<2048x5xi32, #tpu.memory_space<hbm>>
      %dma_start3A_54 = arith.constant 0 : i32
      %dma_start3A_55 = tpu.memref_slice %dma_start3A_53[%mul3A_32, %dma_start3A_54] : memref<2048x5xi32, #tpu.memory_space<hbm>> -> memref<512x5xi32, #tpu.memory_space<hbm>>
      tpu.enqueue_dma source(%arg5 : memref<512x5xi32, #tpu.memory_space<vmem>>) target(%dma_start3A_55 : memref<512x5xi32, #tpu.memory_space<hbm>>) target_semaphore(%run_scoped3A : memref<!tpu.dma_semaphore, #tpu.memory_space<semaphore_mem>>)
      %dma_wait3A = arith.constant 0 : i32
      %dma_wait3A_56 = arith.constant 0 : i32
      %dma_wait3A_57 = tpu.memref_slice %arg3[%select_n3A, %dma_wait3A, %dma_wait3A_56] : memref<8x2048x5xi32, #tpu.memory_space<hbm>> -> memref<1x2048x5xi32, #tpu.memory_space<hbm>>
      %dma_wait3A_58 = tpu.memref_squeeze %dma_wait3A_57 : memref<1x2048x5xi32, #tpu.memory_space<hbm>> -> memref<2048x5xi32, #tpu.memory_space<hbm>>
      %dma_wait3A_59 = arith.constant 0 : i32
      %dma_wait3A_60 = tpu.memref_slice %dma_wait3A_58[%mul3A_32, %dma_wait3A_59] : memref<2048x5xi32, #tpu.memory_space<hbm>> -> memref<512x5xi32, #tpu.memory_space<hbm>>
      %dma_wait3A_61 = arith.constant 0 : i32
      %dma_wait3A_62 = arith.constant 0 : i32
      %dma_wait3A_63 = tpu.memref_slice %arg3[%select_n3A, %dma_wait3A_61, %dma_wait3A_62] : memref<8x2048x5xi32, #tpu.memory_space<hbm>> -> memref<1x2048x5xi32, #tpu.memory_space<hbm>>
      %dma_wait3A_64 = tpu.memref_squeeze %dma_wait3A_63 : memref<1x2048x5xi32, #tpu.memory_space<hbm>> -> memref<2048x5xi32, #tpu.memory_space<hbm>>
      %dma_wait3A_65 = arith.constant 0 : i32
      %dma_wait3A_66 = tpu.memref_slice %dma_wait3A_64[%mul3A_32, %dma_wait3A_65] : memref<2048x5xi32, #tpu.memory_space<hbm>> -> memref<512x5xi32, #tpu.memory_space<hbm>>
      tpu.wait_dma2 semaphore(%run_scoped3A : memref<!tpu.dma_semaphore, #tpu.memory_space<semaphore_mem>>) src(%arg5 : memref<512x5xi32, #tpu.memory_space<vmem>>) dst(%dma_wait3A_66 : memref<512x5xi32, #tpu.memory_space<hbm>>)
      tpu.yield
    }) : () -> ()
    return
  }
}

</mosaic_0001>

<sc_bundles>
// kernel: kernel.3.cloned.1.call-start
scs
__scs_entry_jumppad:
0x0: {  	(pc) =	sbr.rel $0x88, $3  }
0x1: {  	(tag) =	ssettag $0x0;
	lr =	simm.s32 $0x1  }
0x2: {  	[smem:$0x3FA0] =	sst lr;
	_ =	strace $0xD0000000  }
0x3: {  	_ = 	snop  }
0x4: {  	_ = 	snop  }
0x5: {  	_ = 	snop  }
0x6: {  	_ = 	snop  }
0x7: {  	_ = 	snop  }
__scs_overlays_trampoline_lowered:
0x8: {  	[smem:$0x3FAF] =	sst s0  }
0x9: {  	[smem:$0x3FB0] =	sst s1  }
0xa: {  	[smem:$0x3FB1] =	sst s2  }
0xb: {  	[smem:$0x3FB2] =	sst s3  }
0xc: {  	[smem:$0x3FB3] =	sst s4  }
0xd: {  	[smem:$0x3FB4] =	sst s5  }
0xe: {  	[smem:$0x3FB5] =	sst s6  }
0xf: {  	[smem:$0x3FB6] =	sst s7  }
0x10: {  	[smem:$0x3FB7] =	sst s8  }
0x11: {  	[smem:$0x3FB8] =	sst s9;
	s0 =	simm.s32 @!p0 $0x0  }
0x12: {  	s1 =	sld [smem:$0x3F9E];
	s0 =	simm.s32 @p0 $0x1  }
0x13: {  	[smem:$0x3FB9] =	sst s0;
	s0 =	simm.s32 @!p1 $0x0  }
0x14: {  	s2 =	sld [smem:$0x3F9D];
	s0 =	simm.s32 @p1 $0x1  }
0x15: {  	[smem:$0x3FBA] =	sst s0;
	s0 =	simm.s32 @!p2 $0x0  }
0x16: {  	s3 =	sld [smem:$0x3FDB];
	s0 =	simm.s32 @p2 $0x1  }
0x17: {  	s4 =	simm.s32 $0x1BF5;
	[smem:$0x3FBC] =	sst s0  }
0x18: {  	s0 =	sld [smem:$0x3F9F];
	_ =	swait.ge [sflag:s4], $0x0  }
0x19: {  	s7 =	sld [smem:$0x3FA0]  }
0x1a: {  	s8 =	sadd.s32 $0xFFFFE003, lr  }
0x1b: {  	s9 =	sadd.s32 $0xFFFFFEF7, lr;
	s5 =	simm.s32 $0xFFFFFFFF;
	p2 =	slt.u32 s8, $0xFFFFF086  }
0x1c: {  	p1 =	slt.u32 s9, $0xF7A;
	s5 =	simm.s32 @!p2 $0x0  }
0x1d: {  	s5 =	simm.s32 @p1 $0x1;
	p0 =	seq.s32 s7, s2  }
0x1e: {  	s7 =	smul.u32 @!p0 $0xF7A, s2;
	p2 =	seq.s32 @!p0 s5, $0x0  }
0x1f: {  	s9 =	smul.u32 $0xF7A, s1;
	s8 =	simm.s32 @!p0 $0x1BF5;
	p2 =	por !p2, p0  }
0x20: {  	[sflag:s8] =	ssyncset.s32 @!p0 $0xFFFFF086;
	s6 =	sadd.s32 @!p0 s3, s7;
	s7 =	simm.s32 @!p0 $0x108  }
0x21: {  	s3 =	sadd.s32 s3, s9;
	s6 =	sadd.s32 @!p0 $0x88, s6;
	s7 =	simm.s32 @p2 $0x1082  }
0x22: {  	[simem:s7], [sflag:s8] =	dma.local @!p0 [hbm:s6], $0xF7A  }
0x23: {  	s9 =	sor.u32 $0xD0000000, s2;
	s6 =	simm.s32 $0x108;
	_ =	swait.ge @!p0 [sflag:s8], $0x0  }
0x24: {  	s3 =	sadd.s32 $0x88, s3;
	s6 =	simm.s32 @!p1 $0x1082;
	[sflag:s4] =	ssyncset.s32 $0xFFFFF086  }
0x25: {  	[simem:s6], [sflag:s4] =	dma.local [hbm:s3], $0xF7A  }
0x26: {  	[smem:$0x3FA0] =	sst s1;
	(tag) =	ssettag s2;
	_ =	strace s9  }
0x27: {  	s1 =	sld [smem:$0x3FB0]  }
0x28: {  	s2 =	sld [smem:$0x3FB1]  }
0x29: {  	s4 =	sld [smem:$0x3FB3]  }
0x2a: {  	p0 =	seq.s32 s5, $0x0;
	s5 =	sld [smem:$0x3FB4]  }
0x2b: {  	s6 =	sld [smem:$0x3FB5]  }
0x2c: {  	s7 =	sld [smem:$0x3FB6]  }
0x2d: {  	s3 =	simm.s32 $0x108;
	s8 =	sld [smem:$0x3FB7]  }
0x2e: {  	s3 =	simm.s32 @!p0 $0x1082;
	s9 =	sld [smem:$0x3FB8]  }
0x2f: {  	lr =	sadd.s32 s0, s3;
	s0 =	sld [smem:$0x3FAF]  }
0x30: {  	s3 =	sld [smem:$0x3FB2]  }
0x31: {  	[smem:$0x3FBB] =	sst s10  }
0x32: {  	s10 =	sld [smem:$0x3FB9];
	_ =	sdelay $0x3  }
0x33: {  	p0 =	seq.s32 s10, $0x1;
	s10 =	sld [smem:$0x3FBB];
	_ =	sdelay $0x3  }
0x34: {  	[smem:$0x3FBB] =	sst s10  }
0x35: {  	s10 =	sld [smem:$0x3FBA];
	_ =	sdelay $0x3  }
0x36: {  	p1 =	seq.s32 s10, $0x1;
	s10 =	sld [smem:$0x3FBB];
	_ =	sdelay $0x3  }
0x37: {  	[smem:$0x3FBB] =	sst s10  }
0x38: {  	s10 =	sld [smem:$0x3FBC]  }
0x39: {  	_ = 	snop;
	(pc) =	sbr.ind lr, $3  }
0x3a: {  	_ = 	snop  }
0x3b: {  	_ = 	snop  }
0x3c: {  	p2 =	seq.s32 s10, $0x1;
	s10 =	sld [smem:$0x3FBB]  }
0x3d: {  	_ =	shalt  }
0x3e: {  	_ =	shalt  }
0x3f: {  	_ =	shalt  }
0x40: {  	_ =	shalt  }
0x41: {  	_ =	shalt  }
0x42: {  	_ =	shalt  }
0x43: {  	_ =	shalt  }
0x44: {  	_ =	shalt  }
0x45: {  	_ =	shalt  }
0x46: {  	_ =	shalt  }
0x47: {  	_ =	shalt  }
0x48: {  	_ =	shalt  }
0x49: {  	_ =	shalt  }
0x4a: {  	_ =	shalt  }
0x4b: {  	_ =	shalt  }
0x4c: {  	_ =	shalt  }
0x4d: {  	_ =	shalt  }
0x4e: {  	_ =	shalt  }
0x4f: {  	_ =	shalt  }
0x50: {  	_ =	shalt  }
0x51: {  	_ =	shalt  }
0x52: {  	_ =	shalt  }
0x53: {  	_ =	shalt  }
0x54: {  	_ =	shalt  }
0x55: {  	_ =	shalt  }
0x56: {  	_ =	shalt  }
0x57: {  	_ =	shalt  }
0x58: {  	_ =	shalt  }
0x59: {  	_ =	shalt  }
0x5a: {  	_ =	shalt  }
0x5b: {  	_ =	shalt  }
0x5c: {  	_ =	shalt  }
0x5d: {  	_ =	shalt  }
0x5e: {  	_ =	shalt  }
0x5f: {  	_ =	shalt  }
0x60: {  	_ =	shalt  }
0x61: {  	_ =	shalt  }
0x62: {  	_ =	shalt  }
0x63: {  	_ =	shalt  }
0x64: {  	_ =	shalt  }
0x65: {  	_ =	shalt  }
0x66: {  	_ =	shalt  }
0x67: {  	_ =	shalt  }
0x68: {  	_ =	shalt  }
0x69: {  	_ =	shalt  }
0x6a: {  	_ =	shalt  }
0x6b: {  	_ =	shalt  }
0x6c: {  	_ =	shalt  }
0x6d: {  	_ =	shalt  }
0x6e: {  	_ =	shalt  }
0x6f: {  	_ =	shalt  }
0x70: {  	_ =	shalt  }
0x71: {  	_ =	shalt  }
0x72: {  	_ =	shalt  }
0x73: {  	_ =	shalt  }
0x74: {  	_ =	shalt  }
0x75: {  	_ =	shalt  }
0x76: {  	_ =	shalt  }
0x77: {  	_ =	shalt  }
0x78: {  	_ =	shalt  }
0x79: {  	_ =	shalt  }
0x7a: {  	_ =	shalt  }
0x7b: {  	_ =	shalt  }
0x7c: {  	_ =	shalt  }
0x7d: {  	_ =	shalt  }
0x7e: {  	_ =	shalt  }
0x7f: {  	_ =	shalt  }
0x80: {  	_ =	shalt  }
0x81: {  	_ =	shalt  }
0x82: {  	_ =	shalt  }
0x83: {  	_ =	shalt  }
0x84: {  	_ =	shalt  }
0x85: {  	_ =	shalt  }
0x86: {  	_ =	shalt  }
0x87: {  	_ =	shalt  }
.Lfunc_end0:
.L_simem_size_0:
called_computation_lowered:
.L_overlay_start_0:
0x88: {  	s2 =	sld [smem:$0x3FD9]  }
0x89: {  	s3 =	sld [smem:$0x3FFE];
	_ =	sdelay $0x1  }
0x8a: {  	s1 =	srdreg.scid  }
0x8b: {  	s0 =	sand.u32 $0x1, s1  }
0x8c: {  	s17 =	sshll.u32 s0, $0xA;
	s2 =	sadd.s32 s3, s2  }
0x8d: {  	s2 =	sadd.s32 s2, s17  }
0x8e: {  	[smem:$0x3FC7] =	sst s2  }
0x8f: {  	_ = 	snop  }
0x90: {  	s2 =	sld [smem:$0x3FD0];
	(tm) =	ssettm $0x1  }
0x91: {  	s18 =	sld [smem:$0x3FFB];
	_ =	sdelay $0x3  }
0x92: {  	_ =	strace s18  }
0x93: {  	s3 =	sld [smem:$0x3FFC];
	_ =	sdelay $0x3  }
0x94: {  	_ =	strace s3  }
0x95: {  	s3 =	sld [smem:$0x3FFD];
	_ =	sdelay $0x3  }
0x96: {  	_ =	strace s3  }
0x97: {  	_ =	strace $0x8FFFFFFF  }
0x98: {  	s19 =	sld [smem:$0x3FDB];
	_ =	sdelay $0x1  }
0x99: {  	s4 =	simm.s32 $_scs_section_size  }
0x9a: {  	s5 =	simm.s32 $_size__tile_overlayer_lowered;
	s6 =	simm.s32 $_tile_overlayer_lowered  }
0x9b: {  	s22 =	simm.s32 $0x1BFF;
	s21 =	sshll.u32 s6, $0x1;
	s3 =	sadd.s32 s4, s19  }
0x9c: {  	s7 =	simm.s32 $0x0;
	s20 =	sshll.u32 s5, $0x1;
	s5 =	sadd.s32 s21, s3  }
0x9d: {  	[timem:s7], [sflag:s22] =	dma.local [hbm:s5], s20  }
0x9e: {  	_ =	swait.ge [sflag:s22], s20  }
0x9f: {  	s4 =	ssub.s32 $0x0, s20;
	[sflag:s22] =	ssyncset.done $0x0  }
0xa0: {  	[sflag:s22] =	ssyncadd.s32 s4;
	_ =	sdelay $0x1  }
0xa1: {  	s23 =	simm.s32 $0x1B8B  }
0xa2: {  	_ =	swait.ge [sflag:s23], $0x1  }
0xa3: {  	[sflag:s23] =	ssyncset.done $0x0  }
0xa4: {  	s25 =	simm.s32 $0x1B8E;
	s24 =	sld [smem:$0x3FFE];
	[sflag:s23] =	ssyncadd.s32 $0xFFFFFFFF  }
0xa5: {  	s26 =	simm.s32 $execute0_lowered;
	[smem:$0x3FD2] =	sst s25  }
0xa6: {  	s5 =	sshll.u32 s26, $0x1;
	_ =	strace $0x80000046;
	[dreg:$0x1] =	wrdreg $0xFFFFFFFF  }
0xa7: {  	s28 =	simm.s32 $_size_execute0_lowered;
	s3 =	sadd.s32 s3, s5;
	[dreg:$0x0] =	wrdreg $0x0  }
0xa8: {  	s5 =	sshll.u32 s28, $0x1;
	[dreg:$0x2] =	wrdreg s3  }
0xa9: {  	[dreg:$0x3] =	wrdreg s5  }
0xaa: {  	[dreg:$0x4] =	wrdreg $0xC0  }
0xab: {  	_ =	task [dreg:s7], $0x5FFFF  }
0xac: {  	[dreg:$0x1] =	wrdreg $0xFFFFFFFF  }
0xad: {  	[dreg:$0x0] =	wrdreg $0x60  }
0xae: {  	[dreg:$0x2] =	wrdreg s2  }
0xaf: {  	[dreg:$0x3] =	wrdreg s24  }
0xb0: {  	[dreg:$0x4] =	wrdreg $0x9  }
0xb1: {  	_ =	task.clear_ibuf [dreg:s7], $0x5FFFF;
	_ =	strace $0x90000046  }
0xb2: {  	s29 =	simm.s32 $0x9;
	_ =	strace $0x80000048  }
0xb3: {  	_ =	swait.ge [sflag:s29], $0x1  }
0xb4: {  	[sflag:s29] =	ssyncadd.s32 $0xFFFFFFFF  }
0xb5: {  	_ =	strace $0x90000048  }
0xb6: {  	_ =	sfence  }
0xb7: {  	s30 =	sld [smem:$0x0];
	_ =	sdelay $0x2  }
0xb8: {  	s31 =	sshll.u32 s1, $0xD;
	s1 =	sshrl.u32 s1, $0x2  }
0xb9: {  	s3 =	sand.u32 $0x4000, s31;
	s1 =	sadd.s32 s1, s30  }
0xba: {  	s0 =	sor.u32 s3, s0;
	s1 =	sshll.u32 s1, $0x11  }
0xbb: {  	s0 =	sor.u32 s1, s0  }
0xbc: {  	s0 =	sadd.s32 $0x8F2B, s0  }
0xbd: {  	[sflag:s0] =	ssyncadd.remote.s32 $0x1  }
0xbe: {  	_ =	sfence.sel $0xFFFF  }
0xbf: {  	[dreg:$0x0] =	wrdreg $0xFFFFFFFF;
	(pc) =	sbr.abs _section_cstart, $3  }
0xc0: {  	[dreg:$0x1] =	wrdreg $0xFFFFFFFF  }
0xc1: {  	_ =	task.clear_ibuf [dreg:s7], $0x2FFFF;
	_ =	strace $0x9FFFFFFF  }
0xc2: {  	(tm) =	ssettm $0x7FFFFFFF  }
0xc3: {  	_ =	shalt  }
tec
execute0_lowered:
.L_overlay_start_1:
0x0: {  	(tag) =	ssettag $0x1  }
0x1: {  	s3 =	rddreg [dreg:$0x0]  }
0x2: {  	s4 =	rddreg [dreg:$0x1]  }
0x3: {  	s0 =	rddreg [dreg:$0x2]  }
0x4: {  	s2 =	simm.s32 $0x0;
	s1 =	stileid.u32;
	s6 =	srdreg.scid  }
0x5: {  	[smem:$0x7FF] =	sst s2;
	s5 =	sshrl.u32 s1, $0x1;
	s6 =	sand.u32 $0x1, s6  }
0x6: {  	s8 =	sshll.u32 s1, $0x1;
	_ =	strace $0x80000047;
	s7 =	sshll.u32 s5, $0xF  }
0x7: {  	s30 =	ssub.s32 $0x2, s6;
	s8 =	sand.u32 $0x2, s8;
	s5 =	sshll.u32 s5, $0x4  }
0x8: {  	s4 =	sadd.s32 s7, s4;
	s9 =	sshrl.u32 s30, $0x1;
	s6 =	sor.u32 s6, s8  }
0x9: {  	s3 =	sadd.s32 s3, s5;
	s5 =	simm.s32 $0x80;
	s7 =	ssub.s32 s30, s9  }
0xa: {  	s8 =	sshll.u32 s6, $0x9;
	s31 =	sadd.s32 $0x400, s4;
	s10 =	sshll.u32 s6, $0xD  }
0xb: {  	v2 =	vlaneseq.u32;
	s6 =	simm.s32 $0x400;
	s4 =	smax.u32 s7, $0x1;
	s7 =	simm.s32 $0x1  }
0xc: {  	v1 =	vimm.s32 $0x0;
	v0 =	vor.u32 s8, v2;
	v2 =	vmul.u32 $0x80, v2;
	s8 =	simm.s32 $0x1800;
	s9 =	sadd.s32 s10, s31;
	s10 =	simm.s32 $0x0  }
.LBB2_1:
0xd: {  	[tilespmem:s2], [sflag:$0x1] =	stream.strided.gather [hbm4b:s3+s5], $0x1800, s6, s5, $0x38;
	[tilespmem:$0x11800] =	vst v63  }
0xe: {  	_ =	swait.ge [sflag:s7], $0x1800  }
0xf: {  	[sflag:s7] =	ssyncset.done $0x0  }
0x10: {  	s11 =	simm.s32 $0x0;
	[sflag:s7] =	ssyncadd.s32 $0xFFFFE800  }
.LBB2_2:
0x11: {  	s13 =	sshll.u32 s11, $0x4  }
0x12: {  	v3 =	vor.u32 s13, v0  }
0x13: {  	v4 =	vmul.u32 $0x3, v3;
	_ =	sdelay $0x1  }
0x14: {  	v6 =	vadd.s32 $0x1, v4  }
0x15: {  	v7 =	vadd.s32 $0x2, v4;
	_ =	sdelay $0x1  }
0x16: {  	s12 =	simm.s32 $0x0  }
0x17: {  	v9 =	vimm.s32 $0x0;
	v5 =	vld.idx.msk [tilespmem:v4+s12+$0x0], $0xffff  }
0x18: {  	v11 =	vimm.s32 $0x0;
	v12 =	vimm.s32 $0x0;
	v10 =	vimm.s32 $0x0;
	v6 =	vld.idx.msk [tilespmem:v6+s12+$0x0], $0xffff  }
0x19: {  	v8 =	vimm.s32 $0x0;
	v3 =	vmov s13;
	v4 =	vimm.s32 $0x0;
	v7 =	vld.idx.msk [tilespmem:v7+s12+$0x0], $0xffff  }
.LBB2_3:
0x1a: {  	v13 =	vmov s12  }
0x1b: {  	v14 =	vmul.u32 $0x3, v13;
	v16 =	vor.u32 $0x1, v13  }
0x1c: {  	v18 =	vmul.u32 $0x3, v16  }
0x1d: {  	v14 =	vbroadcast v14, $0x0  }
0x1e: {  	v20 =	vor.u32 $0x2, v13  }
0x1f: {  	v13 =	vor.u32 $0x3, v13;
	v22 =	vmul.u32 $0x3, v20;
	v15 =	vor.u32 $0x1, v14  }
0x20: {  	v25 =	vmul.u32 $0x3, v13;
	_ =	sdelay $0x1  }
0x21: {  	v19 =	vadd.s32 $0x1, v18;
	v21 =	vadd.s32 $0x2, v18;
	v18 =	vld.idx.msk [tilespmem:v18+s2+$0x0], $0xffff  }
0x22: {  	v17 =	vor.u32 $0x2, v14;
	v14 =	vld.idx.msk [tilespmem:v14+s2+$0x0], $0xffff  }
0x23: {  	v23 =	vor.u32 $0x1, v22;
	v15 =	vld.idx.msk [tilespmem:v15+s2+$0x0], $0xffff  }
0x24: {  	v24 =	vadd.s32 $0x2, v22;
	v22 =	vld.idx.msk [tilespmem:v22+s2+$0x0], $0xffff  }
0x25: {  	v26 =	vadd.s32 $0x1, v25;
	v45 =	vld.idx.msk [tilespmem:v25+s2+$0x0], $0xffff  }
0x26: {  	v27 =	vor.u32 $0x2, v25;
	v19 =	vld.idx.msk [tilespmem:v19+s2+$0x0], $0xffff  }
0x27: {  	v21 =	vld.idx.msk [tilespmem:v21+s2+$0x0], $0xffff  }
0x28: {  	v23 =	vld.idx.msk [tilespmem:v23+s2+$0x0], $0xffff;
	v14 =	vsub.f32 v5, v14;
	v15 =	vsub.f32 v6, v15  }
0x29: {  	v17 =	vld.idx.msk [tilespmem:v17+s2+$0x0], $0xffff  }
0x2a: {  	v46 =	vld.idx.msk [tilespmem:v26+s2+$0x0], $0xffff;
	v14 =	vmul.f32 v14, v14;
	v15 =	vmul.f32 v15, v15  }
0x2b: {  	v51 =	vld.idx.msk [tilespmem:v27+s2+$0x0], $0xffff;
	v18 =	vsub.f32 v5, v18;
	v49 =	vsub.f32 v5, v22  }
0x2c: {  	vm5 =	veq.s32 v4, $0x0;
	v54 =	vsub.f32 v5, v45;
	v14 =	vadd.f32 v15, v14;
	v15 =	vld.idx.msk [tilespmem:v24+s2+$0x0], $0xffff  }
0x2d: {  	vm6 =	veq.s32 v4, $0x1;
	v19 =	vsub.f32 v6, v19;
	v50 =	vsub.f32 v6, v23  }
0x2e: {  	v52 =	vsub.f32 v7, v21;
	v17 =	vsub.f32 v7, v17;
	v47 =	vmul.f32 v18, v18  }
0x2f: {  	v55 =	vsub.f32 v6, v46;
	v22 =	vmul.f32 v54, v54;
	v48 =	vmul.f32 v19, v19  }
0x30: {  	v56 =	vsub.f32 v7, v51;
	v19 =	vmul.f32 v49, v49;
	v17 =	vmul.f32 v17, v17  }
0x31: {  	v53 =	vmul.f32 v50, v50;
	v18 =	vmul.f32 v52, v52;
	v15 =	vsub.f32 v7, v15  }
0x32: {  	v57 =	vmul.f32 v55, v55;
	v14 =	vadd.f32 v17, v14;
	v17 =	vadd.f32 v48, v47  }
0x33: {  	v59 =	vmul.f32 v56, v56;
	v19 =	vadd.f32 v53, v19;
	v15 =	vmul.f32 v15, v15  }
0x34: {  	v58 =	vadd.f32 v57, v22;
	vm4 =	vlt.f32 v14, $1.156000040e+01;
	v14 =	vadd.f32 v18, v17  }
0x35: {  	vm7 =	veq.s32 v4, $0x2;
	vm8 =	veq.s32 v4, $0x3;
	v15 =	vadd.f32 v15, v19  }
0x36: {  	v17 =	vadd.f32 v59, v58;
	vm3 =	vlt.f32 v14, $1.156000040e+01;
	v14 =	vsel vm4, $0x1, v1  }
0x37: {  	v14 =	vadd.s32 v14, v4;
	v60 =	vsel vm3, $0x1, v1;
	vm2 =	vlt.f32 v15, $1.156000040e+01  }
0x38: {  	vm1 =	vlt.f32 v17, $1.156000040e+01;
	v15 =	vadd.s32 v60, v14;
	v61 =	vsel vm2, $0x1, v1  }
0x39: {  	vm9 =	veq.s32 v4, $0x4;
	v4 =	vsel vm1, $0x1, v1;
	v62 =	vadd.s32 v61, v15  }
0x3a: {  	v4 =	vadd.s32 v4, v62  }
0x3b: {  	vm0 =	vgt.s32 v4, $0x4  }
0x3c: {  	v63 =	vmpcnt.ones.xlane vm0;
	_ =	sdelay $0x1  }
0x3d: {  	(v2sf) =	vpush v63, $0x0;
	_ =	sdelay $0x3  }
0x3e: {  	vm5 =	vmand vm5, vm4  }
0x3f: {  	vm13 =	vmand vm6, vm4;
	vm14 =	vmand vm7, vm4;
	vm15 =	vmand vm8, vm4  }
0x40: {  	v8 =	vsel vm5, s12, v8;
	v10 =	vsel vm13, s12, v10;
	vm4 =	vmand vm9, vm4  }
0x41: {  	v12 =	vsel vm14, s12, v12;
	v11 =	vsel vm15, s12, v11;
	v9 =	vsel vm4, s12, v9  }
0x42: {  	vm8 =	veq.s32 v14, $0x0;
	vm10 =	veq.s32 v14, $0x1;
	vm12 =	veq.s32 v14, $0x2  }
0x43: {  	vm14 =	veq.s32 v14, $0x3;
	vm15 =	veq.s32 v14, $0x4;
	vm9 =	vmand vm3, vm8  }
0x44: {  	vm11 =	vmand vm3, vm10;
	vm13 =	vmand vm3, vm12;
	vm5 =	vmand vm3, vm14  }
0x45: {  	vm3 =	vmand vm3, vm15;
	v8 =	vsel vm9, v16, v8;
	v10 =	vsel vm11, v16, v10  }
0x46: {  	v12 =	vsel vm13, v16, v12;
	v11 =	vsel vm5, v16, v11;
	v9 =	vsel vm3, v16, v9  }
0x47: {  	vm9 =	veq.s32 v15, $0x0;
	vm3 =	veq.s32 v15, $0x1;
	vm10 =	veq.s32 v15, $0x2  }
0x48: {  	vm11 =	veq.s32 v15, $0x3;
	vm4 =	vmand vm2, vm9;
	vm3 =	vmand vm2, vm3  }
0x49: {  	p0 =	sgt.u32 s12, $0x7FB;
	vm5 =	vmand vm2, vm11;
	v8 =	vsel vm4, v20, v8;
	vm4 =	vmand vm2, vm10;
	s13 =	spop (v2sf)  }
0x4a: {  	v10 =	vsel vm3, v20, v10;
	v11 =	vsel vm5, v20, v11;
	vm3 =	veq.s32 v15, $0x4;
	p1 =	slt.s32 @!p0 s13, $0x10  }
0x4b: {  	vm12 =	veq.s32 v62, $0x0;
	vm13 =	veq.s32 v62, $0x1;
	vm15 =	veq.s32 v62, $0x4;
	p0 =	por p0, !p1  }
.Ltmp0:
0x4c: {  	v12 =	vsel vm4, v20, v12;
	vm2 =	vmand vm2, vm3;
	vm3 =	vmand vm1, vm12;
	(pc) =	sbr.rel @!p0 .LBB2_3-.Ltmp0, $4  }
0x4d: {  	vm14 =	vmand vm1, vm13;
	v9 =	vsel vm2, v20, v9;
	v8 =	vsel vm3, v13, v8  }
0x4e: {  	v10 =	vsel vm14, v13, v10;
	vm2 =	veq.s32 v62, $0x2;
	vm3 =	veq.s32 v62, $0x3  }
0x4f: {  	vm2 =	vmand vm1, vm2;
	vm3 =	vmand vm1, vm3;
	vm1 =	vmand vm1, vm15  }
0x50: {  	s12 =	sadd.s32 $0x4, s12;
	v12 =	vsel vm2, v13, v12;
	v11 =	vsel vm3, v13, v11;
	v9 =	vsel vm1, v13, v9  }
0x51: {  	v3 =	vshll.u32 v3, $0x7  }
0x52: {  	v3 =	vor.u32 v2, v3  }
0x53: {  	v5 =	vor.u32 $0x1, v3  }
0x54: {  	v6 =	vor.u32 $0x2, v3  }
0x55: {  	s11 =	sadd.s32 $0x1, s11;
	v7 =	vor.u32 $0x3, v3  }
0x56: {  	vm1 =	vgt.s32 v4, $0x1;
	p0 =	sne.s32 s11, $0x20;
	v13 =	vor.u32 $0x4, v3  }
.Ltmp1:
0x57: {  	vm14 =	vgt.s32 v4, $0x2;
	[tilespmem:v3+s8+$0x0] =	vst.idx.msk $0xffff, v8;
	v3 =	vsel vm1, v10, v8;
	(pc) =	sbr.rel @p0 .LBB2_2-.Ltmp1, $4  }
0x58: {  	vm15 =	vgt.s32 v4, $0x3;
	[tilespmem:v5+s8+$0x0] =	vst.idx.msk $0xffff, v3;
	v3 =	vsel vm14, v12, v8  }
0x59: {  	v4 =	vsel vm15, v11, v8;
	[tilespmem:v6+s8+$0x0] =	vst.idx.msk $0xffff, v3  }
0x5a: {  	v3 =	vsel vm0, v9, v8;
	[tilespmem:v7+s8+$0x0] =	vst.idx.msk $0xffff, v4  }
0x5b: {  	[tilespmem:v13+s8+$0x0] =	vst.idx.msk $0xffff, v3  }
0x5c: {  	s10 =	sadd.s32 $0x1, s10  }
0x5d: {  	p0 =	sne.s32 s10, s4  }
.Ltmp2:
0x5e: {  	_ = 	snop;
	(pc) =	sbr.rel @p0 .LBB2_1-.Ltmp2, $4  }
0x5f: {  	[hbm4b:s9+s2] =	stream.linear.scatter [tilespmem:s8], [sflag:$0x1], $0x10000, $0x38;
	[tilespmem:$0x11800] =	vst v63  }
0x60: {  	_ =	swait.ge [sflag:s7], $0x10000  }
0x61: {  	[sflag:s7] =	ssyncset.done $0x0  }
0x62: {  	[sflag:s7] =	ssyncadd.s32 $0xFFFF0000  }
0x63: {  	_ =	sfence.sel $0x180000  }
0x64: {  	[bflag:$0x0] =	sbarrier.arrive $0xFFFF  }
0x65: {  	p0 =	sne.s32 s1, $0x0;
	_ =	strace $0x90000047  }
0x66: {  	s0 =	sadd.s32 @!p0 $0x100000, s0;
	[bflag:$0x2] =	sbarrier.arrive $0xFFFF  }
0x67: {  	[sflag:s0] =	ssyncadd.tile.s32 @!p0 $0x1;
	_ =	shalt  }
.Lfunc_end2:
_tile_overlayer_lowered:
.L_overlay_start_2:
0x68: {  	(tag) =	ssettag $0x2  }
0x69: {  	s0 =	rddreg [dreg:$0x0];
	s2 =	stileid.u32  }
0x6a: {  	s1 =	rddreg [dreg:$0x1];
	p0 =	sne.s32 s2, $0x0  }
0x6b: {  	s3 =	rddreg [dreg:$0x2];
	[bflag:$0x3] =	sbarrier.arrive $0xFFFF;
	s2 =	simm.s32 @!p0 $0x1C01  }
0x6c: {  	[timem:s3], [sflag:s2] =	dma.local @!p0 [hbm:s0], s1  }
0x6d: {  	s0 =	simm.s32 @!p0 $0x1  }
0x6e: {  	_ =	swait.ge @!p0 [sflag:s0], s1  }
0x6f: {  	s1 =	ssub.s32 @!p0 $0x0, s1;
	[sflag:s0] =	ssyncset.done @!p0 $0x0  }
0x70: {  	[sflag:s0] =	ssyncadd.s32 @!p0 s1  }
0x71: {  	[bflag:$0x3] =	sbarrier.arrive $0xFFFF  }
0x72: {  	_ =	shalt  }

</sc_bundles>
